<compile_context>
chip_gen: v7x
topology: tpu7x:2x2x1
jax: 0.10.2.dev20260603
libtpu: 0.0.44.dev20260713+nightly
codegen_flags: <defaults>
</compile_context>

<pallas_src>
import jax
import jax.numpy as jnp
import numpy as np
from jax.experimental import pallas as pl
from jax.experimental.pallas import tpu as pltpu

_E = 8


def _moe_body(tgt_ref, rew_ref, m1_ref, m2_ref, m3_ref,
              b1_ref, b2_ref, b3_ref,
              out_t_ref, out_r_ref, imp_ref):
    f32 = jnp.float32
    bf16 = jnp.bfloat16

    def dotl(a, b):
        return jax.lax.dot_general(a, b.astype(bf16),
                                   (((1,), (0,)), ((), ())),
                                   preferred_element_type=f32)

    x = rew_ref[...]
    rb, vb = x.shape
    ng = rb // _E

    sqrt2 = jnp.sqrt(f32(2.0))

    def gelu(v):
        return 0.5 * v * (1.0 + jax.lax.erf(v / sqrt2))

    h = gelu(dotl(m1_ref[...], x) + b1_ref[...])
    x2 = gelu(dotl(m2_ref[...], h) + b2_ref[...])
    logits = dotl(m3_ref[...], x2) + b3_ref[...]

    def bcast(v16):
        return jnp.broadcast_to(v16[:, None, :], (ng, _E, vb)).reshape(rb, vb)

    l3 = logits.reshape(ng, _E, vb)
    gmax = bcast(jnp.max(l3, axis=1))
    is_max = logits == gmax
    e = jnp.where(is_max, f32(1.0), jnp.exp(logits - gmax))
    denom = bcast(jnp.sum(e.reshape(ng, _E, vb), axis=1))
    p = e / denom
    thr = f32(0.15)
    mask = p > thr
    no_expert = (f32(1.0) / denom) <= thr
    mask = jnp.logical_or(mask, jnp.logical_and(no_expert, is_max))
    maskf = mask.astype(f32)

    pm = p * maskf
    ps = bcast(jnp.sum(pm.reshape(ng, _E, vb), axis=1))
    w = pm / (ps + f32(1e-8))

    out_t_ref[...] = jnp.sum((tgt_ref[...] * w).reshape(ng, _E, vb), axis=1)
    out_r_ref[...] = jnp.sum((x * w).reshape(ng, _E, vb), axis=1)

    part = jnp.sum(w.reshape(ng, _E, vb), axis=0).reshape(1, _E, vb)
    i = pl.program_id(1)

    @pl.when(i == 0)
    def _():
        imp_ref[...] = part

    @pl.when(i > 0)
    def _():
        imp_ref[...] += part


def kernel(target_dists, rewards, W1, b1, W2, b2, W3, b3):
    b_, s_, v_, e_ = target_dists.shape
    rows = b_ * s_ * e_

    tgt = jnp.transpose(target_dists, (0, 1, 3, 2)).reshape(rows, v_)
    rew = jnp.transpose(rewards, (0, 1, 3, 2)).reshape(rows, v_)

    rb = 128
    while rows % rb:
        rb //= 2
    ng = rb // _E
    vb = 3200
    while vb > v_ or v_ % vb:
        vb //= 2
    gs = rows // rb
    gv = v_ // vb

    i16 = jnp.eye(ng, dtype=jnp.float32)
    m1 = jnp.kron(i16, W1).astype(jnp.bfloat16)
    m2 = jnp.kron(i16, W2).astype(jnp.bfloat16)
    m3 = jnp.kron(i16, W3).astype(jnp.bfloat16)
    b1c = jnp.tile(b1, ng).reshape(ng * 16, 1)
    b2c = jnp.tile(b2, ng).reshape(rb, 1)
    b3c = jnp.tile(b3, ng).reshape(rb, 1)

    consts = [m1, m2, m3, b1c, b2c, b3c]

    def _const_spec(c):
        nd = c.ndim
        return pl.BlockSpec(c.shape, lambda j, i, _n=nd: (0,) * _n)

    in_specs = [pl.BlockSpec((rb, vb), lambda j, i: (i, j)),
                pl.BlockSpec((rb, vb), lambda j, i: (i, j))]
    in_specs += [_const_spec(c) for c in consts]

    out_specs = [pl.BlockSpec((ng, vb), lambda j, i: (i, j)),
                 pl.BlockSpec((ng, vb), lambda j, i: (i, j)),
                 pl.BlockSpec((1, _E, vb), lambda j, i: (j, 0, 0))]
    out_shape = [jax.ShapeDtypeStruct((b_ * s_, v_), jnp.float32),
                 jax.ShapeDtypeStruct((b_ * s_, v_), jnp.float32),
                 jax.ShapeDtypeStruct((gv, _E, vb), jnp.float32)]

    out_t, out_r, imp_parts = pl.pallas_call(
        _moe_body,
        grid=(gv, gs),
        in_specs=in_specs,
        out_specs=out_specs,
        out_shape=out_shape,
        compiler_params=pltpu.CompilerParams(
            dimension_semantics=("arbitrary", "arbitrary")),
    )(tgt, rew, *consts)

    top_n_dists = out_t.reshape(b_, s_, v_, 1)
    top_n_rewards = out_r.reshape(b_, s_, v_, 1)

    importance = imp_parts.sum(axis=(0, 2))
    moe_loss = (jnp.var(importance, ddof=1)
                / (jnp.mean(importance) ** 2 + 1e-10))
    return top_n_dists, top_n_rewards, moe_loss

# --- scband reference (transcript-rebuilt; emitter-appended) ---
"""Pipeline reference for scband-moe-21577915695329 (READ-ONLY COPY).

The authoritative reference and input builder live on the scoring server;
editing this copy changes nothing except your own understanding.
"""

import jax, jax.numpy as jnp
import numpy as np

NUM_EXPERTS = 8
IN_FEAT = 8
B = 1
S = 2048
V = 32000

def setup_inputs(seed: int = 0) -> dict:
    key = jax.random.key(seed)
    ks = jax.random.split(key, 10)
    target_dists = jax.random.uniform(ks[0], (B, S, V, NUM_EXPERTS), dtype=jnp.float32)
    rewards = jax.random.normal(ks[1], (B, S, V, NUM_EXPERTS), dtype=jnp.float32)
    h = IN_FEAT * 2
    def lin_init(k, fan_in, fan_out):
        k1, k2 = jax.random.split(k)
        bound = 1.0 / np.sqrt(fan_in)
        W = jax.random.uniform(k1, (fan_out, fan_in), minval=-bound, maxval=bound, dtype=jnp.float32)
        b = jax.random.uniform(k2, (fan_out,), minval=-bound, maxval=bound, dtype=jnp.float32)
        return W, b
    W1, b1 = lin_init(ks[2], IN_FEAT, h)
    W2, b2 = lin_init(ks[3], h, IN_FEAT)
    W3, b3 = lin_init(ks[4], IN_FEAT, NUM_EXPERTS)
    return {"target_dists": target_dists, "rewards": rewards,
            "W1": W1, "b1": b1, "W2": W2, "b2": b2, "W3": W3, "b3": b3}

def gelu(x):
    # torch default gelu (exact, erf-based)
    return 0.5 * x * (1.0 + jax.lax.erf(x / jnp.sqrt(2.0).astype(x.dtype)))

def cv_squared(x):
    eps = 1e-10
    xf = x.astype(jnp.float32)
    # torch .var() is unbiased (ddof=1)
    return jnp.var(xf, ddof=1) / (jnp.mean(xf) ** 2 + eps)

def reference(target_dists, rewards, W1, b1, W2, b2, W3, b3):
    current_batch_size = rewards.shape[0]
    rewards_squashed = rewards.reshape(-1, rewards.shape[-1])
    x = gelu(rewards_squashed @ W1.T + b1)
    x = gelu(x @ W2.T + b2)
    logits = x @ W3.T + b3
    gating_probs = jax.nn.softmax(logits, axis=1).astype(rewards.dtype)
    threshold = 0.15
    mask = gating_probs > threshold
    num_selected = mask.sum(axis=1)
    no_expert_selected = num_selected == 0
    max_indices = jnp.argmax(gating_probs, axis=1)
    # set mask[row, argmax] = True where no expert selected
    onehot_max = jax.nn.one_hot(max_indices, gating_probs.shape[1], dtype=bool)
    mask = jnp.where(no_expert_selected[:, None], mask | onehot_max, mask)
    selected_probs = gating_probs * mask.astype(jnp.float32)
    prob_sums = selected_probs.sum(axis=1, keepdims=True)
    normalized_probs = selected_probs / (prob_sums + 1e-08)
    reshaped_probs = normalized_probs.reshape(current_batch_size, 2048, 32000, -1)
    reshaped_mask = mask.astype(jnp.float32).reshape(current_batch_size, 2048, 32000, -1)
    weighted_outputs_target = target_dists * reshaped_probs * reshaped_mask
    weighted_outputs_rewards = rewards * reshaped_probs * reshaped_mask
    top_n_dists = weighted_outputs_target.sum(axis=-1, keepdims=True)
    top_n_combined_rewards = weighted_outputs_rewards.sum(axis=-1, keepdims=True)
    importance = normalized_probs.sum(0)
    moe_loss = cv_squared(importance)
    return (top_n_dists, top_n_combined_rewards, moe_loss)

if __name__ == "__main__":
    import jax
    _d = setup_inputs()
    print(jax.jit(kernel)(*tuple(_d.values())))

</pallas_src>

<mosaic_0001>
module attributes {stable_mosaic.version = 14 : i64} {
  func.func @_moe_body(%arg0: i32, %arg1: i32, %arg2: memref<128x3200xf32, #tpu.memory_space<vmem>>, %arg3: memref<128x3200xf32, #tpu.memory_space<vmem>>, %arg4: memref<256x128xbf16, #tpu.memory_space<vmem>>, %arg5: memref<128x256xbf16, #tpu.memory_space<vmem>>, %arg6: memref<128x128xbf16, #tpu.memory_space<vmem>>, %arg7: memref<256x1xf32, #tpu.memory_space<vmem>>, %arg8: memref<128x1xf32, #tpu.memory_space<vmem>>, %arg9: memref<128x1xf32, #tpu.memory_space<vmem>>, %arg10: memref<16x3200xf32, #tpu.memory_space<vmem>>, %arg11: memref<16x3200xf32, #tpu.memory_space<vmem>>, %arg12: memref<1x8x3200xf32, #tpu.memory_space<vmem>>) attributes {dimension_semantics = [#tpu.dimension_semantics<arbitrary>, #tpu.dimension_semantics<arbitrary>], iteration_bounds = array<i64: 10, 128>, scalar_prefetch = 0 : i64, scratch_operands = 0 : i64, tpu.core_type = #tpu.core_type<tc>, window_params = [{transform_indices = @transform_0, window_bounds = array<i64: 128, 3200>}, {transform_indices = @transform_1, window_bounds = array<i64: 128, 3200>}, {pipeline_mode = #tpu.pipeline_mode<synchronous>, transform_indices = @transform_2, window_bounds = array<i64: 256, 128>}, {pipeline_mode = #tpu.pipeline_mode<synchronous>, transform_indices = @transform_3, window_bounds = array<i64: 128, 256>}, {pipeline_mode = #tpu.pipeline_mode<synchronous>, transform_indices = @transform_4, window_bounds = array<i64: 128, 128>}, {pipeline_mode = #tpu.pipeline_mode<synchronous>, transform_indices = @transform_5, window_bounds = array<i64: 256, 1>}, {pipeline_mode = #tpu.pipeline_mode<synchronous>, transform_indices = @transform_6, window_bounds = array<i64: 128, 1>}, {pipeline_mode = #tpu.pipeline_mode<synchronous>, transform_indices = @transform_7, window_bounds = array<i64: 128, 1>}, {transform_indices = @transform_8, window_bounds = array<i64: 16, 3200>}, {transform_indices = @transform_9, window_bounds = array<i64: 16, 3200>}, {transform_indices = @transform_10, window_bounds = array<i64: 1, 8, 3200>}]} {
    %get3A = arith.constant 0 : index
    %get3A_0 = arith.constant 0 : index
    %get3A_1 = vector.load %arg3[%get3A, %get3A_0] : memref<128x3200xf32, #tpu.memory_space<vmem>>, vector<128x3200xf32>
    %sqrt3A = arith.constant 2.000000e+00 : f32
    %sqrt3A_2 = math.sqrt %sqrt3A : f32
    %get3A_3 = arith.constant 0 : index
    %get3A_4 = arith.constant 0 : index
    %get3A_5 = vector.load %arg4[%get3A_3, %get3A_4] : memref<256x128xbf16, #tpu.memory_space<vmem>>, vector<256x128xbf16>
    %convert_element_type3A = arith.truncf %get3A_1 : vector<128x3200xf32> to vector<128x3200xbf16>
    %dot_general3A = arith.constant dense<0.000000e+00> : vector<256x3200xf32>
    %dot_general3A_6 = tpu.matmul %get3A_5, %convert_element_type3A, %dot_general3A {dimension_numbers = #tpu.dot_dimension_numbers<[1], [0], [0], [1], [0, 0, 1, 1], [], []>, transpose_lhs_hint = false} : vector<256x128xbf16>, vector<128x3200xbf16>, vector<256x3200xf32> -> vector<256x3200xf32>
    %get3A_7 = arith.constant 0 : index
    %get3A_8 = arith.constant 0 : index
    %get3A_9 = vector.load %arg7[%get3A_7, %get3A_8] : memref<256x1xf32, #tpu.memory_space<vmem>>, vector<256x1xf32>
    %add3A = vector.broadcast %get3A_9 : vector<256x1xf32> to vector<256x3200xf32>
    %add3A_10 = arith.addf %dot_general3A_6, %add3A : vector<256x3200xf32>
    %mul3A = arith.constant 5.000000e-01 : f32
    %mul3A_11 = vector.broadcast %mul3A : f32 to vector<256x3200xf32>
    %mul3A_12 = arith.mulf %mul3A_11, %add3A_10 : vector<256x3200xf32>
    %div3A = vector.broadcast %sqrt3A_2 : f32 to vector<256x3200xf32>
    %div3A_13 = arith.divf %add3A_10, %div3A : vector<256x3200xf32>
    %erf3A = math.erf %div3A_13 : vector<256x3200xf32>
    %add3A_14 = arith.constant 1.000000e+00 : f32
    %add3A_15 = vector.broadcast %add3A_14 : f32 to vector<256x3200xf32>
    %add3A_16 = arith.addf %add3A_15, %erf3A : vector<256x3200xf32>
    %mul3A_17 = arith.mulf %mul3A_12, %add3A_16 : vector<256x3200xf32>
    %get3A_18 = arith.constant 0 : index
    %get3A_19 = arith.constant 0 : index
    %get3A_20 = vector.load %arg5[%get3A_18, %get3A_19] : memref<128x256xbf16, #tpu.memory_space<vmem>>, vector<128x256xbf16>
    %convert_element_type3A_21 = arith.truncf %mul3A_17 : vector<256x3200xf32> to vector<256x3200xbf16>
    %dot_general3A_22 = arith.constant dense<0.000000e+00> : vector<128x3200xf32>
    %dot_general3A_23 = tpu.matmul %get3A_20, %convert_element_type3A_21, %dot_general3A_22 {dimension_numbers = #tpu.dot_dimension_numbers<[1], [0], [0], [1], [0, 0, 1, 1], [], []>, transpose_lhs_hint = false} : vector<128x256xbf16>, vector<256x3200xbf16>, vector<128x3200xf32> -> vector<128x3200xf32>
    %get3A_24 = arith.constant 0 : index
    %get3A_25 = arith.constant 0 : index
    %get3A_26 = vector.load %arg8[%get3A_24, %get3A_25] : memref<128x1xf32, #tpu.memory_space<vmem>>, vector<128x1xf32>
    %add3A_27 = vector.broadcast %get3A_26 : vector<128x1xf32> to vector<128x3200xf32>
    %add3A_28 = arith.addf %dot_general3A_23, %add3A_27 : vector<128x3200xf32>
    %mul3A_29 = arith.constant 5.000000e-01 : f32
    %mul3A_30 = vector.broadcast %mul3A_29 : f32 to vector<128x3200xf32>
    %mul3A_31 = arith.mulf %mul3A_30, %add3A_28 : vector<128x3200xf32>
    %div3A_32 = vector.broadcast %sqrt3A_2 : f32 to vector<128x3200xf32>
    %div3A_33 = arith.divf %add3A_28, %div3A_32 : vector<128x3200xf32>
    %erf3A_34 = math.erf %div3A_33 : vector<128x3200xf32>
    %add3A_35 = arith.constant 1.000000e+00 : f32
    %add3A_36 = vector.broadcast %add3A_35 : f32 to vector<128x3200xf32>
    %add3A_37 = arith.addf %add3A_36, %erf3A_34 : vector<128x3200xf32>
    %mul3A_38 = arith.mulf %mul3A_31, %add3A_37 : vector<128x3200xf32>
    %get3A_39 = arith.constant 0 : index
    %get3A_40 = arith.constant 0 : index
    %get3A_41 = vector.load %arg6[%get3A_39, %get3A_40] : memref<128x128xbf16, #tpu.memory_space<vmem>>, vector<128x128xbf16>
    %convert_element_type3A_42 = arith.truncf %mul3A_38 : vector<128x3200xf32> to vector<128x3200xbf16>
    %dot_general3A_43 = arith.constant dense<0.000000e+00> : vector<128x3200xf32>
    %dot_general3A_44 = tpu.matmul %get3A_41, %convert_element_type3A_42, %dot_general3A_43 {dimension_numbers = #tpu.dot_dimension_numbers<[1], [0], [0], [1], [0, 0, 1, 1], [], []>, transpose_lhs_hint = false} : vector<128x128xbf16>, vector<128x3200xbf16>, vector<128x3200xf32> -> vector<128x3200xf32>
    %get3A_45 = arith.constant 0 : index
    %get3A_46 = arith.constant 0 : index
    %get3A_47 = vector.load %arg9[%get3A_45, %get3A_46] : memref<128x1xf32, #tpu.memory_space<vmem>>, vector<128x1xf32>
    %add3A_48 = vector.broadcast %get3A_47 : vector<128x1xf32> to vector<128x3200xf32>
    %add3A_49 = arith.addf %dot_general3A_44, %add3A_48 : vector<128x3200xf32>
    %reshape3A = vector.shape_cast %add3A_49 : vector<128x3200xf32> to vector<16x8x3200xf32>
    %reduce_max3A = arith.constant dense<0xFF800000> : vector<16x3200xf32>
    %reduce_max3A_50 = vector.multi_reduction <maximumf>, %reshape3A, %reduce_max3A [1] : vector<16x8x3200xf32> to vector<16x3200xf32>
    %broadcast_in_dim3A = vector.shape_cast %reduce_max3A_50 : vector<16x3200xf32> to vector<16x1x3200xf32>
    %broadcast_in_dim3A_51 = vector.shape_cast %broadcast_in_dim3A : vector<16x1x3200xf32> to vector<16x1x3200xf32>
    %broadcast_in_dim3A_52 = vector.broadcast %broadcast_in_dim3A_51 : vector<16x1x3200xf32> to vector<16x8x3200xf32>
    %reshape3A_53 = vector.shape_cast %broadcast_in_dim3A_52 : vector<16x8x3200xf32> to vector<128x3200xf32>
    %eq3A = arith.cmpf oeq, %add3A_49, %reshape3A_53 : vector<128x3200xf32>
    %sub3A = arith.subf %add3A_49, %reshape3A_53 : vector<128x3200xf32>
    %exp3A = math.exp %sub3A : vector<128x3200xf32>
    %jit3A = arith.constant 1.000000e+00 : f32
    %broadcast_in_dim3A_54 = vector.broadcast %jit3A : f32 to vector<128x3200xf32>
    %select_n3A = arith.select %eq3A, %broadcast_in_dim3A_54, %exp3A : vector<128x3200xi1>, vector<128x3200xf32>
    %reshape3A_55 = vector.shape_cast %select_n3A : vector<128x3200xf32> to vector<16x8x3200xf32>
    %reduce_sum3A = arith.constant dense<0.000000e+00> : vector<16x3200xf32>
    %reduce_sum3A_56 = vector.multi_reduction <add>, %reshape3A_55, %reduce_sum3A [1] : vector<16x8x3200xf32> to vector<16x3200xf32>
    %broadcast_in_dim3A_57 = vector.shape_cast %reduce_sum3A_56 : vector<16x3200xf32> to vector<16x1x3200xf32>
    %broadcast_in_dim3A_58 = vector.shape_cast %broadcast_in_dim3A_57 : vector<16x1x3200xf32> to vector<16x1x3200xf32>
    %broadcast_in_dim3A_59 = vector.broadcast %broadcast_in_dim3A_58 : vector<16x1x3200xf32> to vector<16x8x3200xf32>
    %reshape3A_60 = vector.shape_cast %broadcast_in_dim3A_59 : vector<16x8x3200xf32> to vector<128x3200xf32>
    %div3A_61 = arith.divf %select_n3A, %reshape3A_60 : vector<128x3200xf32>
    %gt3A = arith.constant 1.500000e-01 : f32
    %gt3A_62 = vector.broadcast %gt3A : f32 to vector<128x3200xf32>
    %gt3A_63 = arith.cmpf ogt, %div3A_61, %gt3A_62 : vector<128x3200xf32>
    %div3A_64 = arith.constant 1.000000e+00 : f32
    %div3A_65 = vector.broadcast %div3A_64 : f32 to vector<128x3200xf32>
    %div3A_66 = arith.divf %div3A_65, %reshape3A_60 : vector<128x3200xf32>
    %le3A = arith.constant 1.500000e-01 : f32
    %le3A_67 = vector.broadcast %le3A : f32 to vector<128x3200xf32>
    %le3A_68 = arith.cmpf ole, %div3A_66, %le3A_67 : vector<128x3200xf32>
    %and3A = arith.andi %le3A_68, %eq3A : vector<128x3200xi1>
    %or3A = arith.ori %gt3A_63, %and3A : vector<128x3200xi1>
    %convert_element_type3A_69 = arith.extui %or3A : vector<128x3200xi1> to vector<128x3200xi32>
    %convert_element_type3A_70 = arith.sitofp %convert_element_type3A_69 : vector<128x3200xi32> to vector<128x3200xf32>
    %mul3A_71 = arith.mulf %div3A_61, %convert_element_type3A_70 : vector<128x3200xf32>
    %reshape3A_72 = vector.shape_cast %mul3A_71 : vector<128x3200xf32> to vector<16x8x3200xf32>
    %reduce_sum3A_73 = arith.constant dense<0.000000e+00> : vector<16x3200xf32>
    %reduce_sum3A_74 = vector.multi_reduction <add>, %reshape3A_72, %reduce_sum3A_73 [1] : vector<16x8x3200xf32> to vector<16x3200xf32>
    %broadcast_in_dim3A_75 = vector.shape_cast %reduce_sum3A_74 : vector<16x3200xf32> to vector<16x1x3200xf32>
    %broadcast_in_dim3A_76 = vector.shape_cast %broadcast_in_dim3A_75 : vector<16x1x3200xf32> to vector<16x1x3200xf32>
    %broadcast_in_dim3A_77 = vector.broadcast %broadcast_in_dim3A_76 : vector<16x1x3200xf32> to vector<16x8x3200xf32>
    %reshape3A_78 = vector.shape_cast %broadcast_in_dim3A_77 : vector<16x8x3200xf32> to vector<128x3200xf32>
    %add3A_79 = arith.constant 9.99999993E-9 : f32
    %add3A_80 = vector.broadcast %add3A_79 : f32 to vector<128x3200xf32>
    %add3A_81 = arith.addf %reshape3A_78, %add3A_80 : vector<128x3200xf32>
    %div3A_82 = arith.divf %mul3A_71, %add3A_81 : vector<128x3200xf32>
    %get3A_83 = arith.constant 0 : index
    %get3A_84 = arith.constant 0 : index
    %get3A_85 = vector.load %arg2[%get3A_83, %get3A_84] : memref<128x3200xf32, #tpu.memory_space<vmem>>, vector<128x3200xf32>
    %mul3A_86 = arith.mulf %get3A_85, %div3A_82 : vector<128x3200xf32>
    %reshape3A_87 = vector.shape_cast %mul3A_86 : vector<128x3200xf32> to vector<16x8x3200xf32>
    %reduce_sum3A_88 = arith.constant dense<0.000000e+00> : vector<16x3200xf32>
    %reduce_sum3A_89 = vector.multi_reduction <add>, %reshape3A_87, %reduce_sum3A_88 [1] : vector<16x8x3200xf32> to vector<16x3200xf32>
    %swap3A = arith.constant 0 : index
    %swap3A_90 = arith.constant 0 : index
    %swap3A_91 = vector.load %arg10[%swap3A, %swap3A_90] : memref<16x3200xf32, #tpu.memory_space<vmem>>, vector<16x3200xf32>
    tpu.vector_store %arg10[%swap3A, %swap3A_90], %reduce_sum3A_89 {strides = array<i32>} : memref<16x3200xf32, #tpu.memory_space<vmem>>, vector<16x3200xf32>,
    %mul3A_92 = arith.mulf %get3A_1, %div3A_82 : vector<128x3200xf32>
    %reshape3A_93 = vector.shape_cast %mul3A_92 : vector<128x3200xf32> to vector<16x8x3200xf32>
    %reduce_sum3A_94 = arith.constant dense<0.000000e+00> : vector<16x3200xf32>
    %reduce_sum3A_95 = vector.multi_reduction <add>, %reshape3A_93, %reduce_sum3A_94 [1] : vector<16x8x3200xf32> to vector<16x3200xf32>
    %swap3A_96 = arith.constant 0 : index
    %swap3A_97 = arith.constant 0 : index
    %swap3A_98 = vector.load %arg11[%swap3A_96, %swap3A_97] : memref<16x3200xf32, #tpu.memory_space<vmem>>, vector<16x3200xf32>
    tpu.vector_store %arg11[%swap3A_96, %swap3A_97], %reduce_sum3A_95 {strides = array<i32>} : memref<16x3200xf32, #tpu.memory_space<vmem>>, vector<16x3200xf32>,
    %reshape3A_99 = vector.shape_cast %div3A_82 : vector<128x3200xf32> to vector<16x8x3200xf32>
    %reduce_sum3A_100 = arith.constant dense<0.000000e+00> : vector<8x3200xf32>
    %reduce_sum3A_101 = vector.multi_reduction <add>, %reshape3A_99, %reduce_sum3A_100 [0] : vector<16x8x3200xf32> to vector<8x3200xf32>
    %reshape3A_102 = vector.shape_cast %reduce_sum3A_101 : vector<8x3200xf32> to vector<1x8x3200xf32>
    %eq3A_103 = arith.constant 0 : i32
    %eq3A_104 = arith.cmpi eq, %arg1, %eq3A_103 : i32
    %convert_element_type3A_105 = arith.extui %eq3A_104 : i1 to i32
    %cond3A = arith.constant 0 : i32
    %cond3A_106 = arith.cmpi ne, %convert_element_type3A_105, %cond3A : i32
    scf.if %cond3A_106 {
      %swap3A_112 = arith.constant 0 : index
      %swap3A_113 = arith.constant 0 : index
      %swap3A_114 = arith.constant 0 : index
      %swap3A_115 = vector.load %arg12[%swap3A_112, %swap3A_113, %swap3A_114] : memref<1x8x3200xf32, #tpu.memory_space<vmem>>, vector<1x8x3200xf32>
      tpu.vector_store %arg12[%swap3A_112, %swap3A_113, %swap3A_114], %reshape3A_102 {strides = array<i32>} : memref<1x8x3200xf32, #tpu.memory_space<vmem>>, vector<1x8x3200xf32>,
    } else {
    }
    %gt3A_107 = arith.constant 0 : i32
    %gt3A_108 = arith.cmpi sgt, %arg1, %gt3A_107 : i32
    %convert_element_type3A_109 = arith.extui %gt3A_108 : i1 to i32
    %cond3A_110 = arith.constant 0 : i32
    %cond3A_111 = arith.cmpi ne, %convert_element_type3A_109, %cond3A_110 : i32
    scf.if %cond3A_111 {
      %get3A_112 = arith.constant 0 : index
      %get3A_113 = arith.constant 0 : index
      %get3A_114 = arith.constant 0 : index
      %get3A_115 = vector.load %arg12[%get3A_112, %get3A_113, %get3A_114] : memref<1x8x3200xf32, #tpu.memory_space<vmem>>, vector<1x8x3200xf32>
      %add3A_116 = arith.addf %get3A_115, %reshape3A_102 : vector<1x8x3200xf32>
      %swap3A_117 = arith.constant 0 : index
      %swap3A_118 = arith.constant 0 : index
      %swap3A_119 = arith.constant 0 : index
      %swap3A_120 = vector.load %arg12[%swap3A_117, %swap3A_118, %swap3A_119] : memref<1x8x3200xf32, #tpu.memory_space<vmem>>, vector<1x8x3200xf32>
      tpu.vector_store %arg12[%swap3A_117, %swap3A_118, %swap3A_119], %add3A_116 {strides = array<i32>} : memref<1x8x3200xf32, #tpu.memory_space<vmem>>, vector<1x8x3200xf32>,
    } else {
    }
    return
  }
  func.func @transform_0(%arg0: i32, %arg1: i32) -> (i32, i32) {
    %c0_i32 = arith.constant 0 : i32
    return %arg1, %arg0 : i32, i32
  }
  func.func @transform_1(%arg0: i32, %arg1: i32) -> (i32, i32) {
    %c0_i32 = arith.constant 0 : i32
    return %arg1, %arg0 : i32, i32
  }
  func.func @transform_2(%arg0: i32, %arg1: i32) -> (i32, i32) {
    %c0_i32 = arith.constant 0 : i32
    %c0_i32_0 = arith.constant 0 : i32
    %c0_i32_1 = arith.constant 0 : i32
    return %c0_i32, %c0_i32_0 : i32, i32
  }
  func.func @transform_3(%arg0: i32, %arg1: i32) -> (i32, i32) {
    %c0_i32 = arith.constant 0 : i32
    %c0_i32_0 = arith.constant 0 : i32
    %c0_i32_1 = arith.constant 0 : i32
    return %c0_i32, %c0_i32_0 : i32, i32
  }
  func.func @transform_4(%arg0: i32, %arg1: i32) -> (i32, i32) {
    %c0_i32 = arith.constant 0 : i32
    %c0_i32_0 = arith.constant 0 : i32
    %c0_i32_1 = arith.constant 0 : i32
    return %c0_i32, %c0_i32_0 : i32, i32
  }
  func.func @transform_5(%arg0: i32, %arg1: i32) -> (i32, i32) {
    %c0_i32 = arith.constant 0 : i32
    %c0_i32_0 = arith.constant 0 : i32
    %c0_i32_1 = arith.constant 0 : i32
    return %c0_i32, %c0_i32_0 : i32, i32
  }
  func.func @transform_6(%arg0: i32, %arg1: i32) -> (i32, i32) {
    %c0_i32 = arith.constant 0 : i32
    %c0_i32_0 = arith.constant 0 : i32
    %c0_i32_1 = arith.constant 0 : i32
    return %c0_i32, %c0_i32_0 : i32, i32
  }
  func.func @transform_7(%arg0: i32, %arg1: i32) -> (i32, i32) {
    %c0_i32 = arith.constant 0 : i32
    %c0_i32_0 = arith.constant 0 : i32
    %c0_i32_1 = arith.constant 0 : i32
    return %c0_i32, %c0_i32_0 : i32, i32
  }
  func.func @transform_8(%arg0: i32, %arg1: i32) -> (i32, i32) {
    %c0_i32 = arith.constant 0 : i32
    return %arg1, %arg0 : i32, i32
  }
  func.func @transform_9(%arg0: i32, %arg1: i32) -> (i32, i32) {
    %c0_i32 = arith.constant 0 : i32
    return %arg1, %arg0 : i32, i32
  }
  func.func @transform_10(%arg0: i32, %arg1: i32) -> (i32, i32, i32) {
    %c0_i32 = arith.constant 0 : i32
    %c0_i32_0 = arith.constant 0 : i32
    %c0_i32_1 = arith.constant 0 : i32
    return %arg0, %c0_i32, %c0_i32_0 : i32, i32, i32
  }
}

</mosaic_0001>

<sc_bundles>
// kernel: sparse-core-data-format-call.1.cloned.1.call-start
scs
called_computation.1_lowered:
.L_overlay_start_0:
0x0: {  	s2 =	sld [smem:$0x3FD9]  }
0x1: {  	s3 =	sld [smem:$0x3FFE];
	_ =	sdelay $0x1  }
0x2: {  	s1 =	srdreg.scid  }
0x3: {  	s0 =	sand.u32 $0x1, s1  }
0x4: {  	s16 =	sshll.u32 s0, $0xA;
	s2 =	sadd.s32 s3, s2  }
0x5: {  	s2 =	sadd.s32 s2, s16  }
0x6: {  	[smem:$0x3FC0] =	sst s2  }
0x7: {  	_ = 	snop  }
0x8: {  	s2 =	sld [smem:$0x3FD0];
	_ =	sdelay $0x2  }
0x9: {  	s17 =	simm.s32 $0xB;
	s4 =	simm.s32 $0x10  }
0xa: {  	[smem:s4], [sflag:s17] =	dma.local [hbm:s2], $0x1  }
0xb: {  	_ =	swait.eq [sflag:s17], $0x1  }
0xc: {  	[sflag:s17] =	ssyncset.done $0x0  }
0xd: {  	[sflag:s17] =	ssyncadd.s32 $0xFFFFFFFF  }
0xe: {  	s18 =	sld [smem:$0x10];
	(tm) =	ssettm $0x1  }
0xf: {  	s19 =	sld [smem:$0x3FFB];
	_ =	sdelay $0x3  }
0x10: {  	_ =	strace s19  }
0x11: {  	s2 =	sld [smem:$0x3FFC];
	_ =	sdelay $0x3  }
0x12: {  	_ =	strace s2  }
0x13: {  	s2 =	sld [smem:$0x3FFD];
	_ =	sdelay $0x3  }
0x14: {  	_ =	strace s2  }
0x15: {  	_ =	strace $0x8FFFFFFF  }
0x16: {  	s20 =	sld [smem:$0x3FDB];
	_ =	sdelay $0x1  }
0x17: {  	s21 =	simm.s32 $_scs_section_size  }
0x18: {  	s5 =	simm.s32 $_size__tile_overlayer_lowered;
	s6 =	simm.s32 $_tile_overlayer_lowered  }
0x19: {  	s7 =	simm.s32 $0x1BFF;
	s22 =	sshll.u32 s6, $0x1;
	s4 =	sadd.s32 s21, s20  }
0x1a: {  	s23 =	simm.s32 $0x0;
	s5 =	sshll.u32 s5, $0x1;
	s6 =	sadd.s32 s22, s4  }
0x1b: {  	[timem:s23], [sflag:s7] =	dma.local [hbm:s6], s5  }
0x1c: {  	_ =	swait.ge [sflag:s7], s5  }
0x1d: {  	s5 =	ssub.s32 $0x0, s5;
	[sflag:s7] =	ssyncset.done $0x0  }
0x1e: {  	[sflag:s7] =	ssyncadd.s32 s5;
	_ =	sdelay $0x1  }
0x1f: {  	s24 =	simm.s32 $0x1B8B  }
0x20: {  	_ =	swait.ge [sflag:s24], $0x1  }
0x21: {  	[sflag:s24] =	ssyncset.done $0x0  }
0x22: {  	[sflag:s24] =	ssyncadd.s32 $0xFFFFFFFF  }
0x23: {  	s5 =	sld [smem:$0x0]  }
0x24: {  	s6 =	sand.u32 $0xFFFFFFFE, s1  }
0x25: {  	p0 =	sne.s32 s1, s6  }
0x26: {  	s6 =	sshll.u32 @p0 s6, $0xE  }
0x27: {  	s6 =	sadd.s32 @p0 $0x11B8D, s6;
	s7 =	sshll.u32 @p0 s5, $0x11  }
0x28: {  	s6 =	sor.u32 @p0 s7, s6  }
0x29: {  	[sflag:s6] =	ssyncadd.remote.s32 @p0 $0x1;
	_ =	sdelay $0x1  }
0x2a: {  	s6 =	simm.s32 @p0 $0x1B8D  }
0x2b: {  	_ =	swait.eq @p0 [sflag:s6], $0x1  }
0x2c: {  	[sflag:s6] =	ssyncadd.s32 @p0 $0xFFFFFFFF  }
0x2d: {  	s7 =	sshll.u32 @!p0 s1, $0xE  }
0x2e: {  	s7 =	sor.u32 @!p0 $0x4000, s7;
	s6 =	simm.s32 @!p0 $0x1B8D  }
0x2f: {  	s5 =	sshll.u32 @!p0 s5, $0x11;
	s7 =	sadd.s32 @!p0 $0x11B8D, s7;
	_ =	swait.eq @!p0 [sflag:s6], $0x1  }
0x30: {  	s5 =	sor.u32 @!p0 s5, s7;
	[sflag:s6] =	ssyncadd.s32 @!p0 $0xFFFFFFFF  }
0x31: {  	s26 =	simm.s32 $0x1B8E;
	s25 =	sld [smem:$0x3FFE];
	[sflag:s5] =	ssyncadd.remote.s32 @!p0 $0x1  }
0x32: {  	s27 =	simm.s32 $execute0_lowered;
	[smem:$0x3FD2] =	sst s26  }
0x33: {  	s6 =	sshll.u32 s27, $0x1;
	_ =	strace $0x80000049;
	[dreg:$0x1] =	wrdreg $0xFFFFFFFF  }
0x34: {  	s28 =	simm.s32 $_size_execute0_lowered;
	s4 =	sadd.s32 s4, s6;
	[dreg:$0x0] =	wrdreg $0x0  }
0x35: {  	s6 =	sshll.u32 s28, $0x1;
	[dreg:$0x2] =	wrdreg s4  }
0x36: {  	[dreg:$0x3] =	wrdreg s6  }
0x37: {  	[dreg:$0x4] =	wrdreg $0xC0  }
0x38: {  	_ =	task [dreg:s23], $0x5FFFF  }
0x39: {  	[dreg:$0x1] =	wrdreg $0xFFFFFFFF  }
0x3a: {  	[dreg:$0x0] =	wrdreg $0x60  }
0x3b: {  	[dreg:$0x2] =	wrdreg s25  }
0x3c: {  	[dreg:$0x3] =	wrdreg s18  }
0x3d: {  	[dreg:$0x4] =	wrdreg $0xA  }
0x3e: {  	_ =	task.clear_ibuf [dreg:s23], $0x5FFFF;
	_ =	strace $0x90000049  }
0x3f: {  	s29 =	simm.s32 $0xA;
	_ =	strace $0x8000004B  }
0x40: {  	_ =	swait.ge [sflag:s29], $0x1  }
0x41: {  	[sflag:s29] =	ssyncadd.s32 $0xFFFFFFFF  }
0x42: {  	_ =	strace $0x9000004B  }
0x43: {  	_ =	sfence  }
0x44: {  	s30 =	sld [smem:$0x0];
	_ =	sdelay $0x2  }
0x45: {  	s31 =	sshll.u32 s1, $0xD;
	s1 =	sshrl.u32 s1, $0x2  }
0x46: {  	s4 =	sand.u32 $0x4000, s31;
	s1 =	sadd.s32 s1, s30  }
0x47: {  	s0 =	sor.u32 s4, s0;
	s1 =	sshll.u32 s1, $0x11  }
0x48: {  	s0 =	sor.u32 s1, s0  }
0x49: {  	s0 =	sadd.s32 $0x8F2B, s0  }
0x4a: {  	[sflag:s0] =	ssyncadd.remote.s32 $0x1  }
0x4b: {  	_ =	sfence.sel $0xFFFF  }
0x4c: {  	[dreg:$0x0] =	wrdreg $0xFFFFFFFF;
	(pc) =	sbr.abs _section_cstart, $3  }
0x4d: {  	[dreg:$0x1] =	wrdreg $0xFFFFFFFF  }
0x4e: {  	_ =	task.clear_ibuf [dreg:s23], $0x2FFFF;
	_ =	strace $0x9FFFFFFF  }
0x4f: {  	(tm) =	ssettm $0x7FFFFFFF  }
tec
execute0_lowered:
.L_overlay_start_1:
0x0: {  	(tag) =	ssettag $0x1  }
0x1: {  	s0 =	srdreg.scid  }
0x2: {  	s1 =	sshll.u32 s0, $0x4  }
0x3: {  	s0 =	stileid.u32;
	s1 =	sand.u32 $0x10, s1  }
0x4: {  	s1 =	sor.u32 s0, s1  }
0x5: {  	s6 =	rddreg [dreg:$0x0];
	s4 =	simm.s32 $0x1;
	s2 =	sshll.u32 s1, $0x6  }
0x6: {  	s7 =	simm.s32 $0x2;
	s13 =	simm.s32 $0x0;
	s1 =	ssub.s32 $0x800, s2  }
0x7: {  	s8 =	simm.s32 $0x7D00;
	s9 =	simm.s32 $0x0;
	s3 =	sand.u32 $0x7C0, s1  }
0x8: {  	s14 =	simm.s32 $0x0;
	s5 =	sshrl.u32 s1, $0xB;
	p0 =	sne.s32 s3, $0x0  }
.Ltmp0:
0x9: {  	s1 =	rddreg [dreg:$0x2];
	s4 =	simm.s32 @!p0 $0x0;
	(pc) =	sbr.rel .LBB1_1-.Ltmp0, $4  }
0xa: {  	s10 =	simm.s32 $0x0;
	s3 =	rddreg [dreg:$0x1];
	s5 =	sadd.s32 s4, s5  }
0xb: {  	_ =	strace $0x8000004A;
	s4 =	simm.s32 $0x1;
	s5 =	smul.u32 $0x7D, s5  }
0xc: {  	s12 =	simm.s32 $0x0;
	s6 =	sadd.s32 $0x7D0000, s6;
	[sflag:s4] =	ssyncpa.u1 $0x0  }
0xd: {  	s11 =	smov.u32 s2;
	[sflag:s7] =	ssyncpa.u1 $0x0;
	s7 =	sadd.s32 $0x1, s5  }
.LBB1_4:
0xe: {  	_ =	sdelay $0x1  }
0xf: {  	[tilespmem:s17+$0xFFFFFFE0] =	vst v8  }
0x10: {  	[tilespmem:s17+$0xFFFFFFF0] =	vst v7  }
0x11: {  	s20 =	sor.u32 s22, s21;
	[tilespmem:s17+$0x10] =	vst v1;
	v47 =	vld.idx.msk [tilespmem:v0+s18+$0x470 ss:$0x1], $0xffff  }
0x12: {  	[tilespmem:s17+$0x20] =	vst v2;
	v57 =	vld.idx.msk [tilespmem:v0+s20+$0x410 ss:$0x1], $0xffff  }
0x13: {  	[tilespmem:s17+$0x30] =	vst v3;
	v58 =	vld.idx.msk [tilespmem:v0+s20+$0x420 ss:$0x1], $0xffff  }
0x14: {  	[tilespmem:s17+$0x40] =	vst v4;
	v59 =	vld.idx.msk [tilespmem:v0+s20+$0x430 ss:$0x1], $0xffff  }
0x15: {  	[tilespmem:s17+$0x50] =	vst v5;
	v60 =	vld.idx.msk [tilespmem:v0+s20+$0x440 ss:$0x1], $0xffff  }
0x16: {  	[tilespmem:s17+$0x60] =	vst v6;
	s21 =	sand.u32 $0x3B00, s20;
	v61 =	vld.idx.msk [tilespmem:v0+s20+$0x450 ss:$0x1], $0xffff  }
0x17: {  	s19 =	sand.u32 $0x80, s19;
	s28 =	sadd.s32 $0x100, s17;
	v62 =	vld.idx.msk [tilespmem:v0+s20+$0x460 ss:$0x1], $0xffff;
	s16 =	sadd.s32 s21, s16;
	[tilespmem:s17+$0x70] =	vst v47  }
0x18: {  	v63 =	vld.idx.msk [tilespmem:v0+s20+$0x470 ss:$0x1], $0xffff;
	s16 =	sadd.s32 s19, s16;
	[tilespmem:s28+$0x10] =	vst v57  }
0x19: {  	v48 =	vld [tilespmem:s16+$0x400];
	[tilespmem:s28+$0x20] =	vst v58  }
0x1a: {  	v49 =	vld [tilespmem:s16+$0x0];
	[tilespmem:s28+$0x30] =	vst v59  }
0x1b: {  	v50 =	vld [tilespmem:s16+$0x10];
	[tilespmem:s28+$0x40] =	vst v60  }
0x1c: {  	v51 =	vld [tilespmem:s16+$0x20];
	[tilespmem:s28+$0x50] =	vst v61  }
0x1d: {  	v52 =	vld [tilespmem:s16+$0x30];
	[tilespmem:s28+$0x60] =	vst v62  }
0x1e: {  	v53 =	vld [tilespmem:s16+$0x40];
	[tilespmem:s28+$0x70] =	vst v63  }
0x1f: {  	s29 =	smulhi.u32 $0x10624DD3, s13;
	v54 =	vld [tilespmem:s16+$0x50];
	[tilespmem:s28+$0x0] =	vst v48  }
0x20: {  	v55 =	vld [tilespmem:s16+$0x60];
	[tilespmem:s28+$0xFFFFFF80] =	vst v49  }
0x21: {  	v56 =	vld [tilespmem:s16+$0x70];
	s16 =	sshrl.u32 s29, $0xB;
	[tilespmem:s28+$0xFFFFFF90] =	vst v50  }
0x22: {  	s16 =	smul.u32 $0x7D00, s16;
	[tilespmem:s28+$0xFFFFFFA0] =	vst v51  }
0x23: {  	[tilespmem:s28+$0xFFFFFFB0] =	vst v52  }
0x24: {  	s14 =	smul.u32 $0xFA0, s14;
	s30 =	ssub.s32 s13, s16;
	[tilespmem:s28+$0xFFFFFFC0] =	vst v53  }
0x25: {  	s16 =	sand.u32 $0x7, s30;
	[tilespmem:s28+$0xFFFFFFD0] =	vst v54  }
0x26: {  	s14 =	sadd.s32 s3, s14;
	s13 =	sshrl.u32 s30, $0x3;
	[tilespmem:s28+$0xFFFFFFE0] =	vst v55;
	s16 =	sshll.u32 s16, $0x12  }
0x27: {  	[tilespmem:s28+$0xFFFFFFF0] =	vst v56;
	s13 =	sadd.s32 s13, s14;
	s31 =	sor.u32 $0x100, s16  }
0x28: {  	[hbm4b:s13+s31] =	stream.strided.scatter [tilespmem:s15], [sflag:$0x2], $0x4000, s8, s31, $0x38;
	[tilespmem:$0x10000] =	vst v63  }
.LBB1_5:
0x29: {  	s15 =	sadd.s32 $0x100, s10  }
0x2a: {  	s13 =	sadd.s32 $0x800, s11;
	s17 =	smov.u32 s11;
	p1 =	sgt.s32 s15, $0x7CFF  }
0x2b: {  	s17 =	smov.u32 @p1 s13  }
0x2c: {  	s15 =	simm.s32 @p1 $0x0;
	p1 =	sgt.s32 s17, $0x7FF  }
0x2d: {  	s17 =	smov.u32 @p1 s2;
	p1 =	sne.s32 s12, s7  }
.Ltmp1:
0x2e: {  	p0 =	slt.u32 s12, $0x2;
	(pc) =	sbr.rel @!p1 .LBB1_6-.Ltmp1, $4  }
0x2f: {  	s16 =	simm.s32 @!p0 $0x2  }
0x30: {  	s14 =	smov.u32 s11;
	s9 =	sadd.s32 $0x4000, s9;
	_ =	swait.ge @!p0 [sflag:s16], $0x4000  }
0x31: {  	s13 =	smov.u32 s10;
	[sflag:s16] =	ssyncset.done @!p0 $0x0;
	s10 =	smov.u32 s15  }
0x32: {  	s12 =	sadd.s32 $0x1, s12;
	[sflag:s16] =	ssyncadd.s32 @!p0 $0xFFFFC000;
	s11 =	smov.u32 s17  }
.LBB1_1:
0x33: {  	p0 =	sge.u32 s12, s5  }
0x34: {  	s15 =	sshrl.u32 @!p0 s11, $0x3  }
0x35: {  	s16 =	sshll.u32 @!p0 s10, $0x3;
	s15 =	smul.u32 @!p0 $0x3E800, s15  }
0x36: {  	s17 =	sshll.u32 @!p0 s11, $0x7;
	s16 =	sand.u32 @!p0 $0xFFFFFC00, s16  }
0x37: {  	s15 =	sadd.s32 @!p0 s15, s16;
	s16 =	sand.u32 @!p0 $0x380, s17  }
0x38: {  	s17 =	sand.u32 @!p0 $0x7F, s10;
	s15 =	sor.u32 @!p0 s16, s15  }
0x39: {  	s16 =	sor.u32 @!p0 s17, s15  }
0x3a: {  	s17 =	smulhi.u32 @!p0 $0x10624DD3, s16;
	_ =	sdelay $0x1  }
0x3b: {  	s15 =	smulhi.u32 @!p0 $0x10624DD3, s15;
	s17 =	sshrl.u32 @!p0 s17, $0xB  }
0x3c: {  	s17 =	smul.u32 @!p0 $0x7D00, s17  }
0x3d: {  	s31 =	sadd.s32 $0xFFFFFFFF, s12;
	s18 =	sxor.u32 @!p0 $0xFFFFFFFF, s12;
	s15 =	sshrl.u32 @!p0 s15, $0xB  }
0x3e: {  	s18 =	sshll.u32 @!p0 s18, $0xE;
	s15 =	sand.u32 @!p0 $0x7FF, s15;
	s16 =	ssub.s32 @!p0 s16, s17  }
0x3f: {  	s15 =	smul.u32 @!p0 $0xFA0, s15;
	s17 =	sshrl.u32 @!p0 s16, $0x3;
	s16 =	sand.u32 @!p0 $0x7, s16  }
0x40: {  	s18 =	sand.u32 @!p0 $0x4000, s18;
	s17 =	sadd.s32 @!p0 s6, s17;
	s16 =	sshll.u32 @!p0 s16, $0x12  }
0x41: {  	s15 =	sadd.s32 @!p0 s15, s17;
	s16 =	sor.u32 @!p0 $0x800, s16;
	s17 =	simm.s32 @!p0 $0x3E800  }
0x42: {  	[tilespmem:s18], [sflag:$0x1] =	stream.strided.gather @!p0 [hbm4b:s15+s16], $0x4000, s17, s16, $0x38;
	[tilespmem:$0x10000] =	vst v63  }
0x43: {  	p0 =	sge.u32 s31, s5  }
.Ltmp2:
0x44: {  	_ = 	snop;
	(pc) =	sbr.rel @p0 .LBB1_5-.Ltmp2, $1  }
0x45: {  	_ =	sdelay $0x3  }
0x46: {  	s30 =	simm.s32 $0x0  }
0x47: {  	s17 =	sand.u32 $0x3800, s30;
	s18 =	sand.u32 $0x380, s30  }
0x48: {  	s15 =	sshll.u32 s12, $0xE;
	s18 =	sor.u32 s18, s17  }
0x49: {  	_ =	swait.ge [sflag:s4], $0x4000;
	s16 =	sand.u32 $0x4000, s15;
	s17 =	sand.u32 $0x3B00, s18  }
0x4a: {  	[sflag:s4] =	ssyncset.done $0x0;
	s15 =	sand.u32 $0x80, s30;
	s17 =	sadd.s32 s17, s16  }
0x4b: {  	[sflag:s4] =	ssyncadd.s32 $0xFFFFC000;
	s15 =	sadd.s32 s15, s17  }
0x4c: {  	v4 =	vld [tilespmem:s15+$0x400]  }
0x4d: {  	v5 =	vld [tilespmem:s15+$0x0]  }
0x4e: {  	v6 =	vld [tilespmem:s15+$0x10]  }
0x4f: {  	v0 =	vmov s16;
	v7 =	vld [tilespmem:s15+$0x20]  }
0x50: {  	v9 =	vld [tilespmem:s15+$0x30]  }
0x51: {  	v10 =	vld [tilespmem:s15+$0x40]  }
0x52: {  	s31 =	sand.u32 $0x4000, s9;
	v11 =	vld [tilespmem:s15+$0x50]  }
0x53: {  	s17 =	sor.u32 $0x8080, s31;
	v8 =	vld [tilespmem:s15+$0x60]  }
0x54: {  	v1 =	vld.idx.msk [tilespmem:v0+s18+$0x410 ss:$0x1], $0xffff;
	[tilespmem:s17+$0x0] =	vst v4  }
0x55: {  	v2 =	vld.idx.msk [tilespmem:v0+s18+$0x420 ss:$0x1], $0xffff;
	[tilespmem:s17+$0xFFFFFF80] =	vst v5  }
0x56: {  	v3 =	vld.idx.msk [tilespmem:v0+s18+$0x430 ss:$0x1], $0xffff;
	[tilespmem:s17+$0xFFFFFF90] =	vst v6  }
0x57: {  	[tilespmem:s17+$0xFFFFFFA0] =	vst v7;
	v7 =	vld [tilespmem:s15+$0x70]  }
0x58: {  	s20 =	simm.s32 $0x100;
	[tilespmem:s17+$0xFFFFFFB0] =	vst v9;
	v4 =	vld.idx.msk [tilespmem:v0+s18+$0x440 ss:$0x1], $0xffff  }
0x59: {  	s19 =	simm.s32 $0x80;
	s21 =	sand.u32 $0x3800, s20;
	[tilespmem:s17+$0xFFFFFFC0] =	vst v10;
	v5 =	vld.idx.msk [tilespmem:v0+s18+$0x450 ss:$0x1], $0xffff  }
0x5a: {  	s22 =	sand.u32 $0x380, s19;
	s20 =	simm.s32 $0x200;
	s15 =	sor.u32 $0x8000, s16;
	[tilespmem:s17+$0xFFFFFFD0] =	vst v11;
	v6 =	vld.idx.msk [tilespmem:v0+s18+$0x460 ss:$0x1], $0xffff  }
.LBB1_3:
0x5b: {  	p0 =	sne.s32 s20, $0x3F00;
	[tilespmem:s17+$0xFFFFFFE0] =	vst v8;
	v8 =	vld.idx.msk [tilespmem:v0+s18+$0x470 ss:$0x1], $0xffff;
	s18 =	sor.u32 s22, s21  }
0x5c: {  	s21 =	sand.u32 $0x3B00, s18;
	v9 =	vld.idx.msk [tilespmem:v0+s18+$0x410 ss:$0x1], $0xffff;
	[tilespmem:s17+$0xFFFFFFF0] =	vst v7  }
0x5d: {  	s22 =	sand.u32 $0x80, s19;
	s21 =	sadd.s32 s21, s16;
	v7 =	vld.idx.msk [tilespmem:v0+s18+$0x420 ss:$0x1], $0xffff;
	[tilespmem:s17+$0x10] =	vst v1  }
0x5e: {  	s21 =	sadd.s32 s22, s21;
	v10 =	vld.idx.msk [tilespmem:v0+s18+$0x430 ss:$0x1], $0xffff;
	[tilespmem:s17+$0x20] =	vst v2  }
0x5f: {  	v11 =	vld [tilespmem:s21+$0x400];
	[tilespmem:s17+$0x30] =	vst v3  }
0x60: {  	v12 =	vld [tilespmem:s21+$0x0];
	[tilespmem:s17+$0x40] =	vst v4  }
0x61: {  	v4 =	vld [tilespmem:s21+$0x10];
	[tilespmem:s17+$0x50] =	vst v5  }
0x62: {  	v1 =	vmov v9;
	v5 =	vld [tilespmem:s21+$0x20];
	[tilespmem:s17+$0x60] =	vst v6  }
0x63: {  	v2 =	vmov v7;
	v6 =	vld [tilespmem:s21+$0x30];
	[tilespmem:s17+$0x70] =	vst v8;
	s17 =	sadd.s32 $0x100, s17  }
0x64: {  	v3 =	vmov v10;
	v9 =	vld [tilespmem:s21+$0x40];
	[tilespmem:s17+$0x0] =	vst v11  }
0x65: {  	[tilespmem:s17+$0xFFFFFF80] =	vst v12;
	v10 =	vld [tilespmem:s21+$0x50]  }
.Ltmp3:
0x66: {  	[tilespmem:s17+$0xFFFFFF90] =	vst v4;
	v8 =	vld [tilespmem:s21+$0x60];
	(pc) =	sbr.rel @p0 .LBB1_3-.Ltmp3, $4  }
0x67: {  	[tilespmem:s17+$0xFFFFFFA0] =	vst v5;
	v7 =	vld [tilespmem:s21+$0x70]  }
0x68: {  	[tilespmem:s17+$0xFFFFFFB0] =	vst v6;
	v4 =	vld.idx.msk [tilespmem:v0+s18+$0x440 ss:$0x1], $0xffff  }
0x69: {  	s19 =	sadd.s32 $0x80, s19;
	[tilespmem:s17+$0xFFFFFFC0] =	vst v9;
	v5 =	vld.idx.msk [tilespmem:v0+s18+$0x450 ss:$0x1], $0xffff  }
0x6a: {  	s22 =	sand.u32 $0x380, s19;
	s21 =	sand.u32 $0x3800, s20;
	s20 =	sadd.s32 $0x100, s20;
	[tilespmem:s17+$0xFFFFFFD0] =	vst v10;
	v6 =	vld.idx.msk [tilespmem:v0+s18+$0x460 ss:$0x1], $0xffff  }
.Ltmp4:
0x6b: {  	_ = 	snop;
	(pc) =	sbr.rel .LBB1_4-.Ltmp4, $1  }
0x6c: {  	_ =	sdelay $0x3  }
.LBB1_6:
0x6d: {  	_ =	sfence.sel $0x180000  }
0x6e: {  	s2 =	simm.s32 $0x1;
	[bflag:$0x0] =	sbarrier.arrive $0xFFFF  }
0x6f: {  	s31 =	simm.s32 $0x2;
	[sflag:s2] =	ssyncpa.u1 $0x1  }
0x70: {  	[sflag:s31] =	ssyncpa.u1 $0x1  }
0x71: {  	p0 =	sne.s32 s0, $0x0;
	_ =	strace $0x9000004A  }
0x72: {  	s0 =	sadd.s32 @!p0 $0x100000, s1;
	[bflag:$0x2] =	sbarrier.arrive $0xFFFF  }
0x73: {  	[sflag:s0] =	ssyncadd.tile.s32 @!p0 $0x1;
	_ =	shalt  }
.Lfunc_end1:
_tile_overlayer_lowered:
.L_overlay_start_2:
0x74: {  	(tag) =	ssettag $0x2  }
0x75: {  	s0 =	rddreg [dreg:$0x0];
	s2 =	stileid.u32  }
0x76: {  	s1 =	rddreg [dreg:$0x1];
	p0 =	sne.s32 s2, $0x0  }
0x77: {  	s3 =	rddreg [dreg:$0x2];
	[bflag:$0x3] =	sbarrier.arrive $0xFFFF;
	s2 =	simm.s32 @!p0 $0x1C01  }
0x78: {  	[timem:s3], [sflag:s2] =	dma.local @!p0 [hbm:s0], s1  }
0x79: {  	s0 =	simm.s32 @!p0 $0x1  }
0x7a: {  	_ =	swait.ge @!p0 [sflag:s0], s1  }
0x7b: {  	s1 =	ssub.s32 @!p0 $0x0, s1;
	[sflag:s0] =	ssyncset.done @!p0 $0x0  }
0x7c: {  	[sflag:s0] =	ssyncadd.s32 @!p0 s1  }
0x7d: {  	[bflag:$0x3] =	sbarrier.arrive $0xFFFF  }
0x7e: {  	_ =	shalt  }

// kernel: sparse-core-data-format-call.cloned.1.call-start
scs
called_computation_lowered:
.L_overlay_start_0:
0x0: {  	s2 =	sld [smem:$0x3FD9]  }
0x1: {  	s3 =	sld [smem:$0x3FFE];
	_ =	sdelay $0x1  }
0x2: {  	s1 =	srdreg.scid  }
0x3: {  	s0 =	sand.u32 $0x1, s1  }
0x4: {  	s15 =	sshll.u32 s0, $0xA;
	s2 =	sadd.s32 s3, s2  }
0x5: {  	s2 =	sadd.s32 s2, s15  }
0x6: {  	[smem:$0x3FC0] =	sst s2  }
0x7: {  	_ = 	snop  }
0x8: {  	s2 =	sld [smem:$0x3FD0];
	_ =	sdelay $0x2  }
0x9: {  	s16 =	simm.s32 $0xB;
	s4 =	simm.s32 $0x10  }
0xa: {  	[smem:s4], [sflag:s16] =	dma.local [hbm:s2], $0x1  }
0xb: {  	_ =	swait.eq [sflag:s16], $0x1  }
0xc: {  	[sflag:s16] =	ssyncset.done $0x0  }
0xd: {  	[sflag:s16] =	ssyncadd.s32 $0xFFFFFFFF  }
0xe: {  	s17 =	sld [smem:$0x11];
	(tm) =	ssettm $0x1  }
0xf: {  	s18 =	sld [smem:$0x3FFB];
	_ =	sdelay $0x3  }
0x10: {  	_ =	strace s18  }
0x11: {  	s3 =	sld [smem:$0x3FFC];
	_ =	sdelay $0x3  }
0x12: {  	_ =	strace s3  }
0x13: {  	s3 =	sld [smem:$0x3FFD];
	_ =	sdelay $0x3  }
0x14: {  	_ =	strace s3  }
0x15: {  	_ =	strace $0x8FFFFFFF  }
0x16: {  	s19 =	sld [smem:$0x3FDB];
	_ =	sdelay $0x1  }
0x17: {  	s20 =	simm.s32 $_scs_section_size  }
0x18: {  	s5 =	simm.s32 $_size__tile_overlayer_lowered;
	s6 =	simm.s32 $_tile_overlayer_lowered  }
0x19: {  	s23 =	simm.s32 $0x1BFF;
	s22 =	sshll.u32 s6, $0x1;
	s3 =	sadd.s32 s20, s19  }
0x1a: {  	s7 =	simm.s32 $0x0;
	s21 =	sshll.u32 s5, $0x1;
	s5 =	sadd.s32 s22, s3  }
0x1b: {  	[timem:s7], [sflag:s23] =	dma.local [hbm:s5], s21  }
0x1c: {  	_ =	swait.ge [sflag:s23], s21  }
0x1d: {  	s4 =	ssub.s32 $0x0, s21;
	[sflag:s23] =	ssyncset.done $0x0  }
0x1e: {  	[sflag:s23] =	ssyncadd.s32 s4;
	_ =	sdelay $0x1  }
0x1f: {  	s24 =	simm.s32 $0x1B8B  }
0x20: {  	_ =	swait.ge [sflag:s24], $0x1  }
0x21: {  	[sflag:s24] =	ssyncset.done $0x0  }
0x22: {  	s26 =	simm.s32 $0x1B8E;
	s25 =	sld [smem:$0x3FFE];
	[sflag:s24] =	ssyncadd.s32 $0xFFFFFFFF  }
0x23: {  	s27 =	simm.s32 $execute0_lowered;
	[smem:$0x3FD2] =	sst s26  }
0x24: {  	s5 =	sshll.u32 s27, $0x1;
	_ =	strace $0x80000046;
	[dreg:$0x1] =	wrdreg $0xFFFFFFFF  }
0x25: {  	s28 =	simm.s32 $_size_execute0_lowered;
	s3 =	sadd.s32 s3, s5;
	[dreg:$0x0] =	wrdreg $0x0  }
0x26: {  	s5 =	sshll.u32 s28, $0x1;
	[dreg:$0x2] =	wrdreg s3  }
0x27: {  	[dreg:$0x3] =	wrdreg s5  }
0x28: {  	[dreg:$0x4] =	wrdreg $0xC0  }
0x29: {  	_ =	task [dreg:s7], $0x5FFFF  }
0x2a: {  	[dreg:$0x1] =	wrdreg $0xFFFFFFFF  }
0x2b: {  	[dreg:$0x0] =	wrdreg $0x60  }
0x2c: {  	[dreg:$0x2] =	wrdreg s25  }
0x2d: {  	[dreg:$0x3] =	wrdreg s17  }
0x2e: {  	[dreg:$0x4] =	wrdreg $0x9  }
0x2f: {  	_ =	task.clear_ibuf [dreg:s7], $0x5FFFF;
	_ =	strace $0x90000046  }
0x30: {  	s29 =	simm.s32 $0x9;
	_ =	strace $0x80000048  }
0x31: {  	_ =	swait.ge [sflag:s29], $0x1  }
0x32: {  	[sflag:s29] =	ssyncadd.s32 $0xFFFFFFFF  }
0x33: {  	_ =	strace $0x90000048  }
0x34: {  	_ =	sfence  }
0x35: {  	s30 =	sld [smem:$0x0];
	_ =	sdelay $0x2  }
0x36: {  	s31 =	sshll.u32 s1, $0xD;
	s1 =	sshrl.u32 s1, $0x2  }
0x37: {  	s3 =	sand.u32 $0x4000, s31;
	s1 =	sadd.s32 s1, s30  }
0x38: {  	s0 =	sor.u32 s3, s0;
	s1 =	sshll.u32 s1, $0x11  }
0x39: {  	s0 =	sor.u32 s1, s0  }
0x3a: {  	s0 =	sadd.s32 $0x8F2B, s0  }
0x3b: {  	[sflag:s0] =	ssyncadd.remote.s32 $0x1  }
0x3c: {  	_ =	sfence.sel $0xFFFF  }
0x3d: {  	[dreg:$0x0] =	wrdreg $0xFFFFFFFF;
	(pc) =	sbr.abs _section_cstart, $3  }
0x3e: {  	[dreg:$0x1] =	wrdreg $0xFFFFFFFF  }
0x3f: {  	_ =	task.clear_ibuf [dreg:s7], $0x2FFFF;
	_ =	strace $0x9FFFFFFF  }
0x40: {  	(tm) =	ssettm $0x7FFFFFFF  }
0x41: {  	_ =	shalt  }
tec
execute0_lowered:
.L_overlay_start_1:
0x0: {  	(tag) =	ssettag $0x1  }
0x1: {  	s0 =	srdreg.scid  }
0x2: {  	s1 =	sshll.u32 s0, $0x4  }
0x3: {  	s0 =	stileid.u32;
	s1 =	sand.u32 $0x10, s1  }
0x4: {  	s1 =	sor.u32 s0, s1  }
0x5: {  	s3 =	rddreg [dreg:$0x0];
	s2 =	sshll.u32 s1, $0x6  }
0x6: {  	s5 =	simm.s32 $0x1;
	s7 =	simm.s32 $0x2;
	s1 =	ssub.s32 $0x800, s2  }
0x7: {  	s13 =	simm.s32 $0x0;
	s8 =	simm.s32 $0x7D00;
	s4 =	sand.u32 $0x7C0, s1  }
0x8: {  	s9 =	simm.s32 $0x0;
	s6 =	sshrl.u32 s1, $0xB;
	p0 =	sne.s32 s4, $0x0  }
.Ltmp0:
0x9: {  	s1 =	rddreg [dreg:$0x2];
	s5 =	simm.s32 @!p0 $0x0;
	(pc) =	sbr.rel .LBB1_1-.Ltmp0, $4  }
0xa: {  	s14 =	simm.s32 $0x0;
	s4 =	rddreg [dreg:$0x1];
	s6 =	sadd.s32 s5, s6  }
0xb: {  	_ =	strace $0x80000047;
	s5 =	simm.s32 $0x1;
	s6 =	smul.u32 $0x7D, s6  }
0xc: {  	s10 =	simm.s32 $0x0;
	s12 =	simm.s32 $0x0;
	[sflag:s5] =	ssyncpa.u1 $0x0  }
0xd: {  	s11 =	smov.u32 s2;
	[sflag:s7] =	ssyncpa.u1 $0x0;
	s7 =	sadd.s32 $0x1, s6  }
.LBB1_4:
0xe: {  	_ =	sdelay $0x1  }
0xf: {  	[tilespmem:s17+$0xFFFFFFE0] =	vst v8  }
0x10: {  	[tilespmem:s17+$0xFFFFFFF0] =	vst v7  }
0x11: {  	s20 =	sor.u32 s22, s21;
	[tilespmem:s17+$0x10] =	vst v1;
	v47 =	vld.idx.msk [tilespmem:v0+s18+$0x470 ss:$0x1], $0xffff  }
0x12: {  	[tilespmem:s17+$0x20] =	vst v2;
	v57 =	vld.idx.msk [tilespmem:v0+s20+$0x410 ss:$0x1], $0xffff  }
0x13: {  	[tilespmem:s17+$0x30] =	vst v3;
	v58 =	vld.idx.msk [tilespmem:v0+s20+$0x420 ss:$0x1], $0xffff  }
0x14: {  	[tilespmem:s17+$0x40] =	vst v4;
	v59 =	vld.idx.msk [tilespmem:v0+s20+$0x430 ss:$0x1], $0xffff  }
0x15: {  	[tilespmem:s17+$0x50] =	vst v5;
	v60 =	vld.idx.msk [tilespmem:v0+s20+$0x440 ss:$0x1], $0xffff  }
0x16: {  	[tilespmem:s17+$0x60] =	vst v6;
	s21 =	sand.u32 $0x3B00, s20;
	v61 =	vld.idx.msk [tilespmem:v0+s20+$0x450 ss:$0x1], $0xffff  }
0x17: {  	s19 =	sand.u32 $0x80, s19;
	s28 =	sadd.s32 $0x100, s17;
	v62 =	vld.idx.msk [tilespmem:v0+s20+$0x460 ss:$0x1], $0xffff;
	s16 =	sadd.s32 s21, s16;
	[tilespmem:s17+$0x70] =	vst v47  }
0x18: {  	v63 =	vld.idx.msk [tilespmem:v0+s20+$0x470 ss:$0x1], $0xffff;
	s16 =	sadd.s32 s19, s16;
	[tilespmem:s28+$0x10] =	vst v57  }
0x19: {  	v48 =	vld [tilespmem:s16+$0x400];
	[tilespmem:s28+$0x20] =	vst v58  }
0x1a: {  	v49 =	vld [tilespmem:s16+$0x0];
	[tilespmem:s28+$0x30] =	vst v59  }
0x1b: {  	v50 =	vld [tilespmem:s16+$0x10];
	[tilespmem:s28+$0x40] =	vst v60  }
0x1c: {  	v51 =	vld [tilespmem:s16+$0x20];
	[tilespmem:s28+$0x50] =	vst v61  }
0x1d: {  	v52 =	vld [tilespmem:s16+$0x30];
	[tilespmem:s28+$0x60] =	vst v62  }
0x1e: {  	v53 =	vld [tilespmem:s16+$0x40];
	[tilespmem:s28+$0x70] =	vst v63  }
0x1f: {  	s29 =	smulhi.u32 $0x10624DD3, s13;
	v54 =	vld [tilespmem:s16+$0x50];
	[tilespmem:s28+$0x0] =	vst v48  }
0x20: {  	v55 =	vld [tilespmem:s16+$0x60];
	[tilespmem:s28+$0xFFFFFF80] =	vst v49  }
0x21: {  	v56 =	vld [tilespmem:s16+$0x70];
	s16 =	sshrl.u32 s29, $0xB;
	[tilespmem:s28+$0xFFFFFF90] =	vst v50  }
0x22: {  	s16 =	smul.u32 $0x7D00, s16;
	[tilespmem:s28+$0xFFFFFFA0] =	vst v51  }
0x23: {  	[tilespmem:s28+$0xFFFFFFB0] =	vst v52  }
0x24: {  	s14 =	smul.u32 $0xFA0, s14;
	s30 =	ssub.s32 s13, s16;
	[tilespmem:s28+$0xFFFFFFC0] =	vst v53  }
0x25: {  	s16 =	sand.u32 $0x7, s30;
	[tilespmem:s28+$0xFFFFFFD0] =	vst v54  }
0x26: {  	s14 =	sadd.s32 s4, s14;
	s13 =	sshrl.u32 s30, $0x3;
	[tilespmem:s28+$0xFFFFFFE0] =	vst v55;
	s16 =	sshll.u32 s16, $0x12  }
0x27: {  	[tilespmem:s28+$0xFFFFFFF0] =	vst v56;
	s13 =	sadd.s32 s13, s14;
	s31 =	sor.u32 $0x100, s16  }
0x28: {  	[hbm4b:s13+s31] =	stream.strided.scatter [tilespmem:s15], [sflag:$0x2], $0x4000, s8, s31, $0x38;
	[tilespmem:$0x10000] =	vst v63  }
.LBB1_5:
0x29: {  	s15 =	sadd.s32 $0x100, s10  }
0x2a: {  	s13 =	sadd.s32 $0x800, s11;
	s17 =	smov.u32 s11;
	p1 =	sgt.s32 s15, $0x7CFF  }
0x2b: {  	s17 =	smov.u32 @p1 s13  }
0x2c: {  	s15 =	simm.s32 @p1 $0x0;
	p1 =	sgt.s32 s17, $0x7FF  }
0x2d: {  	s17 =	smov.u32 @p1 s2;
	p1 =	sne.s32 s12, s7  }
.Ltmp1:
0x2e: {  	p0 =	slt.u32 s12, $0x2;
	(pc) =	sbr.rel @!p1 .LBB1_6-.Ltmp1, $4  }
0x2f: {  	s16 =	simm.s32 @!p0 $0x2  }
0x30: {  	s14 =	smov.u32 s11;
	s9 =	sadd.s32 $0x4000, s9;
	_ =	swait.ge @!p0 [sflag:s16], $0x4000  }
0x31: {  	s13 =	smov.u32 s10;
	[sflag:s16] =	ssyncset.done @!p0 $0x0;
	s10 =	smov.u32 s15  }
0x32: {  	s12 =	sadd.s32 $0x1, s12;
	[sflag:s16] =	ssyncadd.s32 @!p0 $0xFFFFC000;
	s11 =	smov.u32 s17  }
.LBB1_1:
0x33: {  	p0 =	sge.u32 s12, s6  }
0x34: {  	s15 =	sshrl.u32 @!p0 s11, $0x3  }
0x35: {  	s16 =	sshll.u32 @!p0 s10, $0x3;
	s15 =	smul.u32 @!p0 $0x3E800, s15  }
0x36: {  	s17 =	sshll.u32 @!p0 s11, $0x7;
	s16 =	sand.u32 @!p0 $0xFFFFFC00, s16  }
0x37: {  	s15 =	sadd.s32 @!p0 s15, s16;
	s16 =	sand.u32 @!p0 $0x380, s17  }
0x38: {  	s17 =	sand.u32 @!p0 $0x7F, s10;
	s15 =	sor.u32 @!p0 s16, s15  }
0x39: {  	s16 =	sor.u32 @!p0 s17, s15  }
0x3a: {  	s17 =	smulhi.u32 @!p0 $0x10624DD3, s16;
	_ =	sdelay $0x1  }
0x3b: {  	s15 =	smulhi.u32 @!p0 $0x10624DD3, s15;
	s17 =	sshrl.u32 @!p0 s17, $0xB  }
0x3c: {  	s17 =	smul.u32 @!p0 $0x7D00, s17  }
0x3d: {  	s31 =	sadd.s32 $0xFFFFFFFF, s12;
	s18 =	sxor.u32 @!p0 $0xFFFFFFFF, s12;
	s15 =	sshrl.u32 @!p0 s15, $0xB  }
0x3e: {  	s18 =	sshll.u32 @!p0 s18, $0xE;
	s15 =	sand.u32 @!p0 $0x7FF, s15;
	s16 =	ssub.s32 @!p0 s16, s17  }
0x3f: {  	s15 =	smul.u32 @!p0 $0xFA0, s15;
	s17 =	sshrl.u32 @!p0 s16, $0x3;
	s16 =	sand.u32 @!p0 $0x7, s16  }
0x40: {  	s18 =	sand.u32 @!p0 $0x4000, s18;
	s17 =	sadd.s32 @!p0 s3, s17;
	s16 =	sshll.u32 @!p0 s16, $0x12  }
0x41: {  	s15 =	sadd.s32 @!p0 s15, s17;
	s16 =	sor.u32 @!p0 $0x800, s16;
	s17 =	simm.s32 @!p0 $0x3E800  }
0x42: {  	[tilespmem:s18], [sflag:$0x1] =	stream.strided.gather @!p0 [hbm4b:s15+s16], $0x4000, s17, s16, $0x38;
	[tilespmem:$0x10000] =	vst v63  }
0x43: {  	p0 =	sge.u32 s31, s6  }
.Ltmp2:
0x44: {  	_ = 	snop;
	(pc) =	sbr.rel @p0 .LBB1_5-.Ltmp2, $1  }
0x45: {  	_ =	sdelay $0x3  }
0x46: {  	s30 =	simm.s32 $0x0  }
0x47: {  	s17 =	sand.u32 $0x3800, s30;
	s18 =	sand.u32 $0x380, s30  }
0x48: {  	s15 =	sshll.u32 s12, $0xE;
	s18 =	sor.u32 s18, s17  }
0x49: {  	_ =	swait.ge [sflag:s5], $0x4000;
	s16 =	sand.u32 $0x4000, s15;
	s17 =	sand.u32 $0x3B00, s18  }
0x4a: {  	[sflag:s5] =	ssyncset.done $0x0;
	s15 =	sand.u32 $0x80, s30;
	s17 =	sadd.s32 s17, s16  }
0x4b: {  	[sflag:s5] =	ssyncadd.s32 $0xFFFFC000;
	s15 =	sadd.s32 s15, s17  }
0x4c: {  	v4 =	vld [tilespmem:s15+$0x400]  }
0x4d: {  	v5 =	vld [tilespmem:s15+$0x0]  }
0x4e: {  	v6 =	vld [tilespmem:s15+$0x10]  }
0x4f: {  	v0 =	vmov s16;
	v7 =	vld [tilespmem:s15+$0x20]  }
0x50: {  	v9 =	vld [tilespmem:s15+$0x30]  }
0x51: {  	v10 =	vld [tilespmem:s15+$0x40]  }
0x52: {  	s31 =	sand.u32 $0x4000, s9;
	v11 =	vld [tilespmem:s15+$0x50]  }
0x53: {  	s17 =	sor.u32 $0x8080, s31;
	v8 =	vld [tilespmem:s15+$0x60]  }
0x54: {  	v1 =	vld.idx.msk [tilespmem:v0+s18+$0x410 ss:$0x1], $0xffff;
	[tilespmem:s17+$0x0] =	vst v4  }
0x55: {  	v2 =	vld.idx.msk [tilespmem:v0+s18+$0x420 ss:$0x1], $0xffff;
	[tilespmem:s17+$0xFFFFFF80] =	vst v5  }
0x56: {  	v3 =	vld.idx.msk [tilespmem:v0+s18+$0x430 ss:$0x1], $0xffff;
	[tilespmem:s17+$0xFFFFFF90] =	vst v6  }
0x57: {  	[tilespmem:s17+$0xFFFFFFA0] =	vst v7;
	v7 =	vld [tilespmem:s15+$0x70]  }
0x58: {  	s20 =	simm.s32 $0x100;
	[tilespmem:s17+$0xFFFFFFB0] =	vst v9;
	v4 =	vld.idx.msk [tilespmem:v0+s18+$0x440 ss:$0x1], $0xffff  }
0x59: {  	s19 =	simm.s32 $0x80;
	s21 =	sand.u32 $0x3800, s20;
	[tilespmem:s17+$0xFFFFFFC0] =	vst v10;
	v5 =	vld.idx.msk [tilespmem:v0+s18+$0x450 ss:$0x1], $0xffff  }
0x5a: {  	s22 =	sand.u32 $0x380, s19;
	s20 =	simm.s32 $0x200;
	s15 =	sor.u32 $0x8000, s16;
	[tilespmem:s17+$0xFFFFFFD0] =	vst v11;
	v6 =	vld.idx.msk [tilespmem:v0+s18+$0x460 ss:$0x1], $0xffff  }
.LBB1_3:
0x5b: {  	p0 =	sne.s32 s20, $0x3F00;
	[tilespmem:s17+$0xFFFFFFE0] =	vst v8;
	v8 =	vld.idx.msk [tilespmem:v0+s18+$0x470 ss:$0x1], $0xffff;
	s18 =	sor.u32 s22, s21  }
0x5c: {  	s21 =	sand.u32 $0x3B00, s18;
	v9 =	vld.idx.msk [tilespmem:v0+s18+$0x410 ss:$0x1], $0xffff;
	[tilespmem:s17+$0xFFFFFFF0] =	vst v7  }
0x5d: {  	s22 =	sand.u32 $0x80, s19;
	s21 =	sadd.s32 s21, s16;
	v7 =	vld.idx.msk [tilespmem:v0+s18+$0x420 ss:$0x1], $0xffff;
	[tilespmem:s17+$0x10] =	vst v1  }
0x5e: {  	s21 =	sadd.s32 s22, s21;
	v10 =	vld.idx.msk [tilespmem:v0+s18+$0x430 ss:$0x1], $0xffff;
	[tilespmem:s17+$0x20] =	vst v2  }
0x5f: {  	v11 =	vld [tilespmem:s21+$0x400];
	[tilespmem:s17+$0x30] =	vst v3  }
0x60: {  	v12 =	vld [tilespmem:s21+$0x0];
	[tilespmem:s17+$0x40] =	vst v4  }
0x61: {  	v4 =	vld [tilespmem:s21+$0x10];
	[tilespmem:s17+$0x50] =	vst v5  }
0x62: {  	v1 =	vmov v9;
	v5 =	vld [tilespmem:s21+$0x20];
	[tilespmem:s17+$0x60] =	vst v6  }
0x63: {  	v2 =	vmov v7;
	v6 =	vld [tilespmem:s21+$0x30];
	[tilespmem:s17+$0x70] =	vst v8;
	s17 =	sadd.s32 $0x100, s17  }
0x64: {  	v3 =	vmov v10;
	v9 =	vld [tilespmem:s21+$0x40];
	[tilespmem:s17+$0x0] =	vst v11  }
0x65: {  	[tilespmem:s17+$0xFFFFFF80] =	vst v12;
	v10 =	vld [tilespmem:s21+$0x50]  }
.Ltmp3:
0x66: {  	[tilespmem:s17+$0xFFFFFF90] =	vst v4;
	v8 =	vld [tilespmem:s21+$0x60];
	(pc) =	sbr.rel @p0 .LBB1_3-.Ltmp3, $4  }
0x67: {  	[tilespmem:s17+$0xFFFFFFA0] =	vst v5;
	v7 =	vld [tilespmem:s21+$0x70]  }
0x68: {  	[tilespmem:s17+$0xFFFFFFB0] =	vst v6;
	v4 =	vld.idx.msk [tilespmem:v0+s18+$0x440 ss:$0x1], $0xffff  }
0x69: {  	s19 =	sadd.s32 $0x80, s19;
	[tilespmem:s17+$0xFFFFFFC0] =	vst v9;
	v5 =	vld.idx.msk [tilespmem:v0+s18+$0x450 ss:$0x1], $0xffff  }
0x6a: {  	s22 =	sand.u32 $0x380, s19;
	s21 =	sand.u32 $0x3800, s20;
	s20 =	sadd.s32 $0x100, s20;
	[tilespmem:s17+$0xFFFFFFD0] =	vst v10;
	v6 =	vld.idx.msk [tilespmem:v0+s18+$0x460 ss:$0x1], $0xffff  }
.Ltmp4:
0x6b: {  	_ = 	snop;
	(pc) =	sbr.rel .LBB1_4-.Ltmp4, $1  }
0x6c: {  	_ =	sdelay $0x3  }
.LBB1_6:
0x6d: {  	_ =	sfence.sel $0x180000  }
0x6e: {  	s2 =	simm.s32 $0x1;
	[bflag:$0x0] =	sbarrier.arrive $0xFFFF  }
0x6f: {  	s31 =	simm.s32 $0x2;
	[sflag:s2] =	ssyncpa.u1 $0x1  }
0x70: {  	[sflag:s31] =	ssyncpa.u1 $0x1  }
0x71: {  	p0 =	sne.s32 s0, $0x0;
	_ =	strace $0x90000047  }
0x72: {  	s0 =	sadd.s32 @!p0 $0x100000, s1;
	[bflag:$0x2] =	sbarrier.arrive $0xFFFF  }
0x73: {  	[sflag:s0] =	ssyncadd.tile.s32 @!p0 $0x1;
	_ =	shalt  }
.Lfunc_end1:
_tile_overlayer_lowered:
.L_overlay_start_2:
0x74: {  	(tag) =	ssettag $0x2  }
0x75: {  	s0 =	rddreg [dreg:$0x0];
	s2 =	stileid.u32  }
0x76: {  	s1 =	rddreg [dreg:$0x1];
	p0 =	sne.s32 s2, $0x0  }
0x77: {  	s3 =	rddreg [dreg:$0x2];
	[bflag:$0x3] =	sbarrier.arrive $0xFFFF;
	s2 =	simm.s32 @!p0 $0x1C01  }
0x78: {  	[timem:s3], [sflag:s2] =	dma.local @!p0 [hbm:s0], s1  }
0x79: {  	s0 =	simm.s32 @!p0 $0x1  }
0x7a: {  	_ =	swait.ge @!p0 [sflag:s0], s1  }
0x7b: {  	s1 =	ssub.s32 @!p0 $0x0, s1;
	[sflag:s0] =	ssyncset.done @!p0 $0x0  }
0x7c: {  	[sflag:s0] =	ssyncadd.s32 @!p0 s1  }
0x7d: {  	[bflag:$0x3] =	sbarrier.arrive $0xFFFF  }
0x7e: {  	_ =	shalt  }

</sc_bundles>
